<compile_context>
chip_gen: v7x
topology: tpu7x:2x2x1
jax: 0.10.2.dev20260603
libtpu: 0.0.44.dev20260713+nightly
codegen_flags: <defaults>
</compile_context>

<pallas_src>
import functools

import jax
import jax.numpy as jnp
from jax import lax
from jax.experimental import pallas as pl
from jax.experimental.pallas import tpu as pltpu
from jax.experimental.pallas import tpu_sc as plsc

_D = 16
_R = 8
_SD = _D * _R
_NC = 2
_NS = 16
_NW = _NC * _NS
_CHUNK = 512


def _sc_gather(w8, idx_flat):
    n_idx = idx_flat.shape[0]
    b_per_w = n_idx // _NW
    n_chunks = b_per_w // _CHUNK
    mesh = plsc.VectorSubcoreMesh(core_axis_name="c", subcore_axis_name="s")

    @functools.partial(
        pl.kernel,
        mesh=mesh,
        out_type=jax.ShapeDtypeStruct((_D, n_idx), jnp.float32),
        compiler_params=pltpu.CompilerParams(
            use_tc_tiling_on_sc=True, needs_layout_passes=False
        ),
        scratch_types=[
            pltpu.VMEM((b_per_w,), jnp.int32),
            pltpu.VMEM((b_per_w,), jnp.int32),
            pltpu.VMEM((_CHUNK, _SD), jnp.float32),
            pltpu.VMEM((_D, b_per_w), jnp.float32),
            pltpu.SemaphoreType.DMA,
        ],
    )
    def gather_k(w_hbm, idx_hbm, out_hbm, idx_v, sidx_v, rows_v, comp_v, sem):
        wid = lax.axis_index("s") * _NC + lax.axis_index("c")
        base = wid * b_per_w
        pltpu.sync_copy(idx_hbm.at[pl.ds(base, b_per_w)], idx_v)

        @pl.loop(0, b_per_w, step=_D)
        def _(j):
            sidx_v[pl.ds(j, _D)] = lax.shift_right_logical(
                idx_v[pl.ds(j, _D)], 3
            )

        lane = lax.iota(jnp.int32, _D)

        @pl.loop(0, n_chunks)
        def _(c):
            pltpu.async_copy(
                w_hbm.at[sidx_v.at[pl.ds(c * _CHUNK, _CHUNK)]], rows_v, sem
            ).wait()

            @pl.loop(0, _CHUNK, step=_D)
            def _(j0):
                g = c * _CHUNK + j0
                cols = (idx_v[pl.ds(g, _D)] & 7) * _D
                rows16 = lane + j0
                for k in range(_D):
                    comp_v[k, pl.ds(g, _D)] = plsc.load_gather(
                        rows_v, [rows16, cols + k]
                    )

        pltpu.sync_copy(comp_v, out_hbm.at[:, pl.ds(base, b_per_w)])

    return gather_k(w8, idx_flat)


def _hdist_body(u_ref, v_ref, s_ref, o_ref):
    u = u_ref[...]
    v = v_ref[...]
    su = jnp.sum(u * u, axis=0)
    sv = jnp.sum(v * v, axis=0)
    d = u - v
    z = 2.0 * jnp.sum(d * d, axis=0)
    uu = 1.0 + z / ((1.0 - su) * (1.0 - sv))
    acosh = jnp.log(uu + jnp.sqrt(uu * uu - 1.0))
    o_ref[...] = acosh / (1.0 + s_ref[0])


def _tc_math(g, scale, b, blk):
    nb = b // blk
    return pl.pallas_call(
        _hdist_body,
        grid=(nb,),
        in_specs=[
            pl.BlockSpec((_D, blk), lambda i: (0, i)),
            pl.BlockSpec((_D, blk), lambda i: (0, i + nb)),
            pl.BlockSpec(memory_space=pltpu.SMEM),
        ],
        out_specs=pl.BlockSpec((blk,), lambda i: (i,)),
        out_shape=jax.ShapeDtypeStruct((b,), jnp.float32),
    )(g, g, scale)


def kernel(idx, w, scale):
    b = idx.shape[0]
    idx = idx.astype(jnp.int32)
    idx_flat = jnp.concatenate([idx[:, 0], idx[:, 1]])
    w8 = w.reshape(w.shape[0] // _R, _SD)
    g = _sc_gather(w8, idx_flat)
    return _tc_math(g, scale, b, blk=2048)

# --- scband reference (transcript-rebuilt; emitter-appended) ---
"""Pipeline reference for scband-hyperbolic-emb-5643587027123 (READ-ONLY COPY).

The authoritative reference and input builder live on the scoring server;
editing this copy changes nothing except your own understanding.
"""

import jax, jax.numpy as jnp
import numpy as np

N = 1000000
D = 16
B = 16384


def h_proj(x, eps=1e-09):
    norms = jnp.linalg.norm(x, axis=-1)
    modified = jnp.where(norms < 1.0, 1.0, 1.0 / ((1.0 + eps) * norms))
    return x * modified[..., None]


def setup_inputs(seed: int = 0) -> dict:
    key = jax.random.key(seed)
    k1, k2 = jax.random.split(key)
    idx = jax.random.randint(k1, (B, 2), 0, N)
    # parameter init: h_proj(0.001 * rand(n, d)) -- identity here since norms << 1
    w = h_proj(0.001 * jax.random.uniform(k2, (N, D), dtype=jnp.float32))
    scale = jnp.zeros((1,), dtype=jnp.float32)
    return {"idx": idx, "w": w, "scale": scale}


def _hdist(u, v):
    z = 2.0 * jnp.sum((u - v) ** 2, axis=1)
    uu = 1.0 + z / ((1.0 - jnp.sum(u ** 2, axis=1)) * (1.0 - jnp.sum(v ** 2, axis=1)))
    return jnp.log(uu + jnp.sqrt(uu ** 2 - 1.0))  # acosh


def reference(idx, w, scale):
    wi = jnp.take(w, idx[:, 0], axis=0)
    wj = jnp.take(w, idx[:, 1], axis=0)
    d = _hdist(wi, wj)
    return d / (1.0 + scale[0])

if __name__ == "__main__":
    import jax
    _d = setup_inputs()
    print(jax.jit(kernel)(*tuple(_d.values())))

</pallas_src>

<mosaic_0001>
#map = affine_map<(d0, d1) -> (0, 0)>
#map1 = affine_map<(d0, d1) -> (0)>
module attributes {stable_mosaic.version = 14 : i64} {
  func.func @gather_k(%arg0: i32, %arg1: i32, %arg2: memref<125000x128xf32, #tpu.memory_space<hbm>>, %arg3: memref<32768xi32, #tpu.memory_space<hbm>>, %arg4: memref<16x32768xf32, #tpu.memory_space<hbm>>, %arg5: memref<1024xi32, #tpu.memory_space<vmem>>, %arg6: memref<1024xi32, #tpu.memory_space<vmem>>, %arg7: memref<512x128xf32, #tpu.memory_space<vmem>>, %arg8: memref<16x1024xf32, #tpu.memory_space<vmem>>, %arg9: memref<!tpu.dma_semaphore, #tpu.memory_space<semaphore_mem>>) attributes {dimension_semantics = [#tpu.dimension_semantics<core_parallel>, #tpu.dimension_semantics<subcore_parallel>], iteration_bounds = array<i64: 2, 16>, scalar_prefetch = 0 : i64, scratch_operands = 5 : i64, tpu.core_type = #tpu.core_type<sc_vector_subcore>, window_params = [{transform_indices = #map}, {transform_indices = #map1}, {transform_indices = #map}]} {
    %mul3A = arith.constant 2 : i32
    %mul3A_0 = arith.muli %arg1, %mul3A : i32
    %add3A = arith.addi %mul3A_0, %arg0 : i32
    %mul3A_1 = arith.constant 1024 : i32
    %mul3A_2 = arith.muli %add3A, %mul3A_1 : i32
    "tpu.region"() ({
      %run_scoped3A = tpu.sem_alloc : memref<!tpu.dma_semaphore, #tpu.memory_space<semaphore_mem>>
      %dma_start3A = tpu.memref_slice %arg3[%mul3A_2] : memref<32768xi32, #tpu.memory_space<hbm>> -> memref<1024xi32, #tpu.memory_space<hbm>>
      %dma_start3A_12 = tpu.memref_slice %arg3[%mul3A_2] : memref<32768xi32, #tpu.memory_space<hbm>> -> memref<1024xi32, #tpu.memory_space<hbm>>
      tpu.enqueue_dma source(%dma_start3A_12 : memref<1024xi32, #tpu.memory_space<hbm>>) target(%arg5 : memref<1024xi32, #tpu.memory_space<vmem>>) target_semaphore(%run_scoped3A : memref<!tpu.dma_semaphore, #tpu.memory_space<semaphore_mem>>)
      %dma_wait3A = tpu.memref_slice %arg3[%mul3A_2] : memref<32768xi32, #tpu.memory_space<hbm>> -> memref<1024xi32, #tpu.memory_space<hbm>>
      %dma_wait3A_13 = tpu.memref_slice %arg3[%mul3A_2] : memref<32768xi32, #tpu.memory_space<hbm>> -> memref<1024xi32, #tpu.memory_space<hbm>>
      tpu.wait_dma2 semaphore(%run_scoped3A : memref<!tpu.dma_semaphore, #tpu.memory_space<semaphore_mem>>) src(%dma_wait3A_13 : memref<1024xi32, #tpu.memory_space<hbm>>) dst(%arg5 : memref<1024xi32, #tpu.memory_space<vmem>>)
      tpu.yield
    }) : () -> ()
    %scan3A = arith.constant 0 : i32
    %scan3A_3 = arith.constant 64 : i32
    %scan3A_4 = arith.addi %scan3A, %scan3A_3 : i32
    %scan3A_5 = arith.constant 1 : i32
    scf.for %scan3A_12 = %scan3A to %scan3A_4 step %scan3A_5  : i32 {
      %mul3A_13 = arith.constant 16 : i32
      %mul3A_14 = arith.muli %scan3A_12, %mul3A_13 : i32
      %add3A_15 = arith.constant 0 : i32
      %add3A_16 = arith.addi %add3A_15, %mul3A_14 : i32
      %get3A = arith.index_cast %add3A_16 : i32 to index
      %get3A_17 = tpu.vector_load %arg5[%get3A] {strides = array<i32>} : memref<1024xi32, #tpu.memory_space<vmem>>, vector<16xi32>,
      %shift_right_logical3A = arith.constant 3 : i32
      %shift_right_logical3A_18 = vector.broadcast %shift_right_logical3A : i32 to vector<16xi32>
      %shift_right_logical3A_19 = arith.shrui %get3A_17, %shift_right_logical3A_18 : vector<16xi32>
      %swap3A = arith.index_cast %add3A_16 : i32 to index
      %swap3A_20 = tpu.vector_load %arg6[%swap3A] {strides = array<i32>} : memref<1024xi32, #tpu.memory_space<vmem>>, vector<16xi32>,
      tpu.vector_store %arg6[%swap3A], %shift_right_logical3A_19 {strides = array<i32>} : memref<1024xi32, #tpu.memory_space<vmem>>, vector<16xi32>,
    }
    %scan3A_6 = arith.constant 64 : i32
    %iota3A = tpu.iota {dimensions = array<i32: 0>} : vector<16xi32>
    %scan3A_7 = arith.constant 0 : i32
    %scan3A_8 = arith.constant 2 : i32
    %scan3A_9 = arith.addi %scan3A_7, %scan3A_8 : i32
    %scan3A_10 = arith.constant 1 : i32
    scf.for %scan3A_12 = %scan3A_7 to %scan3A_9 step %scan3A_10  : i32 {
      %mul3A_13 = arith.constant 1 : i32
      %mul3A_14 = arith.muli %scan3A_12, %mul3A_13 : i32
      %add3A_15 = arith.constant 0 : i32
      %add3A_16 = arith.addi %add3A_15, %mul3A_14 : i32
      %mul3A_17 = arith.constant 512 : i32
      %mul3A_18 = arith.muli %add3A_16, %mul3A_17 : i32
      %dma_start3A = tpu.memref_slice %arg6[%mul3A_18] : memref<1024xi32, #tpu.memory_space<vmem>> -> memref<512xi32, #tpu.memory_space<vmem>>
      %dma_start3A_19 = arith.constant 0 : i32
      %dma_start3A_20 = arith.constant 0 : i32
      %dma_start3A_21 = tpu.memref_slice %arg2[%dma_start3A_19, %dma_start3A_20] : memref<125000x128xf32, #tpu.memory_space<hbm>> -> memref<125000x128xf32, #tpu.memory_space<hbm>>
      tpu.enqueue_indirect_dma source(%dma_start3A_21 : memref<125000x128xf32, #tpu.memory_space<hbm>>) target(%arg7 : memref<512x128xf32, #tpu.memory_space<vmem>>) offsets(%dma_start3A : memref<512xi32, #tpu.memory_space<vmem>>) semaphore(%arg9 : memref<!tpu.dma_semaphore, #tpu.memory_space<semaphore_mem>>)
      %dma_wait3A = tpu.memref_slice %arg6[%mul3A_18] : memref<1024xi32, #tpu.memory_space<vmem>> -> memref<512xi32, #tpu.memory_space<vmem>>
      %dma_wait3A_22 = arith.constant 0 : i32
      %dma_wait3A_23 = arith.constant 0 : i32
      %dma_wait3A_24 = tpu.memref_slice %arg2[%dma_wait3A_22, %dma_wait3A_23] : memref<125000x128xf32, #tpu.memory_space<hbm>> -> memref<125000x128xf32, #tpu.memory_space<hbm>>
      tpu.wait_indirect_dma semaphore(%arg9 : memref<!tpu.dma_semaphore, #tpu.memory_space<semaphore_mem>>) src(%dma_wait3A_24 : memref<125000x128xf32, #tpu.memory_space<hbm>>) dst(%arg7 : memref<512x128xf32, #tpu.memory_space<vmem>>)
      %scan3A_25 = arith.constant 0 : i32
      %scan3A_26 = arith.constant 32 : i32
      %scan3A_27 = arith.addi %scan3A_25, %scan3A_26 : i32
      %scan3A_28 = arith.constant 1 : i32
      scf.for %scan3A_30 = %scan3A_25 to %scan3A_27 step %scan3A_28  : i32 {
        %mul3A_31 = arith.constant 16 : i32
        %mul3A_32 = arith.muli %scan3A_30, %mul3A_31 : i32
        %add3A_33 = arith.constant 0 : i32
        %add3A_34 = arith.addi %add3A_33, %mul3A_32 : i32
        %mul3A_35 = arith.constant 512 : i32
        %mul3A_36 = arith.muli %add3A_16, %mul3A_35 : i32
        %add3A_37 = arith.addi %mul3A_36, %add3A_34 : i32
        %get3A = arith.index_cast %add3A_37 : i32 to index
        %get3A_38 = tpu.vector_load %arg5[%get3A] {strides = array<i32>} : memref<1024xi32, #tpu.memory_space<vmem>>, vector<16xi32>,
        %and3A = arith.constant 7 : i32
        %and3A_39 = vector.broadcast %and3A : i32 to vector<16xi32>
        %and3A_40 = arith.andi %get3A_38, %and3A_39 : vector<16xi32>
        %mul3A_41 = arith.constant 16 : i32
        %mul3A_42 = vector.broadcast %mul3A_41 : i32 to vector<16xi32>
        %mul3A_43 = arith.muli %and3A_40, %mul3A_42 : vector<16xi32>
        %add3A_44 = vector.broadcast %add3A_34 : i32 to vector<16xi32>
        %add3A_45 = arith.addi %iota3A, %add3A_44 : vector<16xi32>
        %add3A_46 = arith.constant 0 : i32
        %add3A_47 = vector.broadcast %add3A_46 : i32 to vector<16xi32>
        %add3A_48 = arith.addi %mul3A_43, %add3A_47 : vector<16xi32>
        %gather3A = tpu.vector_load_idx %arg7[%add3A_45, %add3A_48] : memref<512x128xf32, #tpu.memory_space<vmem>>[vector<16xi32>, vector<16xi32>], vector<16xf32>,
        %swap3A = arith.constant 0 : i32
        %swap3A_49 = arith.index_cast %swap3A : i32 to index
        %swap3A_50 = arith.index_cast %add3A_37 : i32 to index
        %swap3A_51 = tpu.vector_load %arg8[%swap3A_49, %swap3A_50] {strides = array<i32>} : memref<16x1024xf32, #tpu.memory_space<vmem>>, vector<16xf32>,
        tpu.vector_store %arg8[%swap3A_49, %swap3A_50], %gather3A {strides = array<i32>} : memref<16x1024xf32, #tpu.memory_space<vmem>>, vector<16xf32>,
        %add3A_52 = arith.constant 1 : i32
        %add3A_53 = vector.broadcast %add3A_52 : i32 to vector<16xi32>
        %add3A_54 = arith.addi %mul3A_43, %add3A_53 : vector<16xi32>
        %gather3A_55 = tpu.vector_load_idx %arg7[%add3A_45, %add3A_54] : memref<512x128xf32, #tpu.memory_space<vmem>>[vector<16xi32>, vector<16xi32>], vector<16xf32>,
        %swap3A_56 = arith.constant 1 : i32
        %swap3A_57 = arith.index_cast %swap3A_56 : i32 to index
        %swap3A_58 = arith.index_cast %add3A_37 : i32 to index
        %swap3A_59 = tpu.vector_load %arg8[%swap3A_57, %swap3A_58] {strides = array<i32>} : memref<16x1024xf32, #tpu.memory_space<vmem>>, vector<16xf32>,
        tpu.vector_store %arg8[%swap3A_57, %swap3A_58], %gather3A_55 {strides = array<i32>} : memref<16x1024xf32, #tpu.memory_space<vmem>>, vector<16xf32>,
        %add3A_60 = arith.constant 2 : i32
        %add3A_61 = vector.broadcast %add3A_60 : i32 to vector<16xi32>
        %add3A_62 = arith.addi %mul3A_43, %add3A_61 : vector<16xi32>
        %gather3A_63 = tpu.vector_load_idx %arg7[%add3A_45, %add3A_62] : memref<512x128xf32, #tpu.memory_space<vmem>>[vector<16xi32>, vector<16xi32>], vector<16xf32>,
        %swap3A_64 = arith.constant 2 : i32
        %swap3A_65 = arith.index_cast %swap3A_64 : i32 to index
        %swap3A_66 = arith.index_cast %add3A_37 : i32 to index
        %swap3A_67 = tpu.vector_load %arg8[%swap3A_65, %swap3A_66] {strides = array<i32>} : memref<16x1024xf32, #tpu.memory_space<vmem>>, vector<16xf32>,
        tpu.vector_store %arg8[%swap3A_65, %swap3A_66], %gather3A_63 {strides = array<i32>} : memref<16x1024xf32, #tpu.memory_space<vmem>>, vector<16xf32>,
        %add3A_68 = arith.constant 3 : i32
        %add3A_69 = vector.broadcast %add3A_68 : i32 to vector<16xi32>
        %add3A_70 = arith.addi %mul3A_43, %add3A_69 : vector<16xi32>
        %gather3A_71 = tpu.vector_load_idx %arg7[%add3A_45, %add3A_70] : memref<512x128xf32, #tpu.memory_space<vmem>>[vector<16xi32>, vector<16xi32>], vector<16xf32>,
        %swap3A_72 = arith.constant 3 : i32
        %swap3A_73 = arith.index_cast %swap3A_72 : i32 to index
        %swap3A_74 = arith.index_cast %add3A_37 : i32 to index
        %swap3A_75 = tpu.vector_load %arg8[%swap3A_73, %swap3A_74] {strides = array<i32>} : memref<16x1024xf32, #tpu.memory_space<vmem>>, vector<16xf32>,
        tpu.vector_store %arg8[%swap3A_73, %swap3A_74], %gather3A_71 {strides = array<i32>} : memref<16x1024xf32, #tpu.memory_space<vmem>>, vector<16xf32>,
        %add3A_76 = arith.constant 4 : i32
        %add3A_77 = vector.broadcast %add3A_76 : i32 to vector<16xi32>
        %add3A_78 = arith.addi %mul3A_43, %add3A_77 : vector<16xi32>
        %gather3A_79 = tpu.vector_load_idx %arg7[%add3A_45, %add3A_78] : memref<512x128xf32, #tpu.memory_space<vmem>>[vector<16xi32>, vector<16xi32>], vector<16xf32>,
        %swap3A_80 = arith.constant 4 : i32
        %swap3A_81 = arith.index_cast %swap3A_80 : i32 to index
        %swap3A_82 = arith.index_cast %add3A_37 : i32 to index
        %swap3A_83 = tpu.vector_load %arg8[%swap3A_81, %swap3A_82] {strides = array<i32>} : memref<16x1024xf32, #tpu.memory_space<vmem>>, vector<16xf32>,
        tpu.vector_store %arg8[%swap3A_81, %swap3A_82], %gather3A_79 {strides = array<i32>} : memref<16x1024xf32, #tpu.memory_space<vmem>>, vector<16xf32>,
        %add3A_84 = arith.constant 5 : i32
        %add3A_85 = vector.broadcast %add3A_84 : i32 to vector<16xi32>
        %add3A_86 = arith.addi %mul3A_43, %add3A_85 : vector<16xi32>
        %gather3A_87 = tpu.vector_load_idx %arg7[%add3A_45, %add3A_86] : memref<512x128xf32, #tpu.memory_space<vmem>>[vector<16xi32>, vector<16xi32>], vector<16xf32>,
        %swap3A_88 = arith.constant 5 : i32
        %swap3A_89 = arith.index_cast %swap3A_88 : i32 to index
        %swap3A_90 = arith.index_cast %add3A_37 : i32 to index
        %swap3A_91 = tpu.vector_load %arg8[%swap3A_89, %swap3A_90] {strides = array<i32>} : memref<16x1024xf32, #tpu.memory_space<vmem>>, vector<16xf32>,
        tpu.vector_store %arg8[%swap3A_89, %swap3A_90], %gather3A_87 {strides = array<i32>} : memref<16x1024xf32, #tpu.memory_space<vmem>>, vector<16xf32>,
        %add3A_92 = arith.constant 6 : i32
        %add3A_93 = vector.broadcast %add3A_92 : i32 to vector<16xi32>
        %add3A_94 = arith.addi %mul3A_43, %add3A_93 : vector<16xi32>
        %gather3A_95 = tpu.vector_load_idx %arg7[%add3A_45, %add3A_94] : memref<512x128xf32, #tpu.memory_space<vmem>>[vector<16xi32>, vector<16xi32>], vector<16xf32>,
        %swap3A_96 = arith.constant 6 : i32
        %swap3A_97 = arith.index_cast %swap3A_96 : i32 to index
        %swap3A_98 = arith.index_cast %add3A_37 : i32 to index
        %swap3A_99 = tpu.vector_load %arg8[%swap3A_97, %swap3A_98] {strides = array<i32>} : memref<16x1024xf32, #tpu.memory_space<vmem>>, vector<16xf32>,
        tpu.vector_store %arg8[%swap3A_97, %swap3A_98], %gather3A_95 {strides = array<i32>} : memref<16x1024xf32, #tpu.memory_space<vmem>>, vector<16xf32>,
        %add3A_100 = arith.constant 7 : i32
        %add3A_101 = vector.broadcast %add3A_100 : i32 to vector<16xi32>
        %add3A_102 = arith.addi %mul3A_43, %add3A_101 : vector<16xi32>
        %gather3A_103 = tpu.vector_load_idx %arg7[%add3A_45, %add3A_102] : memref<512x128xf32, #tpu.memory_space<vmem>>[vector<16xi32>, vector<16xi32>], vector<16xf32>,
        %swap3A_104 = arith.constant 7 : i32
        %swap3A_105 = arith.index_cast %swap3A_104 : i32 to index
        %swap3A_106 = arith.index_cast %add3A_37 : i32 to index
        %swap3A_107 = tpu.vector_load %arg8[%swap3A_105, %swap3A_106] {strides = array<i32>} : memref<16x1024xf32, #tpu.memory_space<vmem>>, vector<16xf32>,
        tpu.vector_store %arg8[%swap3A_105, %swap3A_106], %gather3A_103 {strides = array<i32>} : memref<16x1024xf32, #tpu.memory_space<vmem>>, vector<16xf32>,
        %add3A_108 = arith.constant 8 : i32
        %add3A_109 = vector.broadcast %add3A_108 : i32 to vector<16xi32>
        %add3A_110 = arith.addi %mul3A_43, %add3A_109 : vector<16xi32>
        %gather3A_111 = tpu.vector_load_idx %arg7[%add3A_45, %add3A_110] : memref<512x128xf32, #tpu.memory_space<vmem>>[vector<16xi32>, vector<16xi32>], vector<16xf32>,
        %swap3A_112 = arith.constant 8 : i32
        %swap3A_113 = arith.index_cast %swap3A_112 : i32 to index
        %swap3A_114 = arith.index_cast %add3A_37 : i32 to index
        %swap3A_115 = tpu.vector_load %arg8[%swap3A_113, %swap3A_114] {strides = array<i32>} : memref<16x1024xf32, #tpu.memory_space<vmem>>, vector<16xf32>,
        tpu.vector_store %arg8[%swap3A_113, %swap3A_114], %gather3A_111 {strides = array<i32>} : memref<16x1024xf32, #tpu.memory_space<vmem>>, vector<16xf32>,
        %add3A_116 = arith.constant 9 : i32
        %add3A_117 = vector.broadcast %add3A_116 : i32 to vector<16xi32>
        %add3A_118 = arith.addi %mul3A_43, %add3A_117 : vector<16xi32>
        %gather3A_119 = tpu.vector_load_idx %arg7[%add3A_45, %add3A_118] : memref<512x128xf32, #tpu.memory_space<vmem>>[vector<16xi32>, vector<16xi32>], vector<16xf32>,
        %swap3A_120 = arith.constant 9 : i32
        %swap3A_121 = arith.index_cast %swap3A_120 : i32 to index
        %swap3A_122 = arith.index_cast %add3A_37 : i32 to index
        %swap3A_123 = tpu.vector_load %arg8[%swap3A_121, %swap3A_122] {strides = array<i32>} : memref<16x1024xf32, #tpu.memory_space<vmem>>, vector<16xf32>,
        tpu.vector_store %arg8[%swap3A_121, %swap3A_122], %gather3A_119 {strides = array<i32>} : memref<16x1024xf32, #tpu.memory_space<vmem>>, vector<16xf32>,
        %add3A_124 = arith.constant 10 : i32
        %add3A_125 = vector.broadcast %add3A_124 : i32 to vector<16xi32>
        %add3A_126 = arith.addi %mul3A_43, %add3A_125 : vector<16xi32>
        %gather3A_127 = tpu.vector_load_idx %arg7[%add3A_45, %add3A_126] : memref<512x128xf32, #tpu.memory_space<vmem>>[vector<16xi32>, vector<16xi32>], vector<16xf32>,
        %swap3A_128 = arith.constant 10 : i32
        %swap3A_129 = arith.index_cast %swap3A_128 : i32 to index
        %swap3A_130 = arith.index_cast %add3A_37 : i32 to index
        %swap3A_131 = tpu.vector_load %arg8[%swap3A_129, %swap3A_130] {strides = array<i32>} : memref<16x1024xf32, #tpu.memory_space<vmem>>, vector<16xf32>,
        tpu.vector_store %arg8[%swap3A_129, %swap3A_130], %gather3A_127 {strides = array<i32>} : memref<16x1024xf32, #tpu.memory_space<vmem>>, vector<16xf32>,
        %add3A_132 = arith.constant 11 : i32
        %add3A_133 = vector.broadcast %add3A_132 : i32 to vector<16xi32>
        %add3A_134 = arith.addi %mul3A_43, %add3A_133 : vector<16xi32>
        %gather3A_135 = tpu.vector_load_idx %arg7[%add3A_45, %add3A_134] : memref<512x128xf32, #tpu.memory_space<vmem>>[vector<16xi32>, vector<16xi32>], vector<16xf32>,
        %swap3A_136 = arith.constant 11 : i32
        %swap3A_137 = arith.index_cast %swap3A_136 : i32 to index
        %swap3A_138 = arith.index_cast %add3A_37 : i32 to index
        %swap3A_139 = tpu.vector_load %arg8[%swap3A_137, %swap3A_138] {strides = array<i32>} : memref<16x1024xf32, #tpu.memory_space<vmem>>, vector<16xf32>,
        tpu.vector_store %arg8[%swap3A_137, %swap3A_138], %gather3A_135 {strides = array<i32>} : memref<16x1024xf32, #tpu.memory_space<vmem>>, vector<16xf32>,
        %add3A_140 = arith.constant 12 : i32
        %add3A_141 = vector.broadcast %add3A_140 : i32 to vector<16xi32>
        %add3A_142 = arith.addi %mul3A_43, %add3A_141 : vector<16xi32>
        %gather3A_143 = tpu.vector_load_idx %arg7[%add3A_45, %add3A_142] : memref<512x128xf32, #tpu.memory_space<vmem>>[vector<16xi32>, vector<16xi32>], vector<16xf32>,
        %swap3A_144 = arith.constant 12 : i32
        %swap3A_145 = arith.index_cast %swap3A_144 : i32 to index
        %swap3A_146 = arith.index_cast %add3A_37 : i32 to index
        %swap3A_147 = tpu.vector_load %arg8[%swap3A_145, %swap3A_146] {strides = array<i32>} : memref<16x1024xf32, #tpu.memory_space<vmem>>, vector<16xf32>,
        tpu.vector_store %arg8[%swap3A_145, %swap3A_146], %gather3A_143 {strides = array<i32>} : memref<16x1024xf32, #tpu.memory_space<vmem>>, vector<16xf32>,
        %add3A_148 = arith.constant 13 : i32
        %add3A_149 = vector.broadcast %add3A_148 : i32 to vector<16xi32>
        %add3A_150 = arith.addi %mul3A_43, %add3A_149 : vector<16xi32>
        %gather3A_151 = tpu.vector_load_idx %arg7[%add3A_45, %add3A_150] : memref<512x128xf32, #tpu.memory_space<vmem>>[vector<16xi32>, vector<16xi32>], vector<16xf32>,
        %swap3A_152 = arith.constant 13 : i32
        %swap3A_153 = arith.index_cast %swap3A_152 : i32 to index
        %swap3A_154 = arith.index_cast %add3A_37 : i32 to index
        %swap3A_155 = tpu.vector_load %arg8[%swap3A_153, %swap3A_154] {strides = array<i32>} : memref<16x1024xf32, #tpu.memory_space<vmem>>, vector<16xf32>,
        tpu.vector_store %arg8[%swap3A_153, %swap3A_154], %gather3A_151 {strides = array<i32>} : memref<16x1024xf32, #tpu.memory_space<vmem>>, vector<16xf32>,
        %add3A_156 = arith.constant 14 : i32
        %add3A_157 = vector.broadcast %add3A_156 : i32 to vector<16xi32>
        %add3A_158 = arith.addi %mul3A_43, %add3A_157 : vector<16xi32>
        %gather3A_159 = tpu.vector_load_idx %arg7[%add3A_45, %add3A_158] : memref<512x128xf32, #tpu.memory_space<vmem>>[vector<16xi32>, vector<16xi32>], vector<16xf32>,
        %swap3A_160 = arith.constant 14 : i32
        %swap3A_161 = arith.index_cast %swap3A_160 : i32 to index
        %swap3A_162 = arith.index_cast %add3A_37 : i32 to index
        %swap3A_163 = tpu.vector_load %arg8[%swap3A_161, %swap3A_162] {strides = array<i32>} : memref<16x1024xf32, #tpu.memory_space<vmem>>, vector<16xf32>,
        tpu.vector_store %arg8[%swap3A_161, %swap3A_162], %gather3A_159 {strides = array<i32>} : memref<16x1024xf32, #tpu.memory_space<vmem>>, vector<16xf32>,
        %add3A_164 = arith.constant 15 : i32
        %add3A_165 = vector.broadcast %add3A_164 : i32 to vector<16xi32>
        %add3A_166 = arith.addi %mul3A_43, %add3A_165 : vector<16xi32>
        %gather3A_167 = tpu.vector_load_idx %arg7[%add3A_45, %add3A_166] : memref<512x128xf32, #tpu.memory_space<vmem>>[vector<16xi32>, vector<16xi32>], vector<16xf32>,
        %swap3A_168 = arith.constant 15 : i32
        %swap3A_169 = arith.index_cast %swap3A_168 : i32 to index
        %swap3A_170 = arith.index_cast %add3A_37 : i32 to index
        %swap3A_171 = tpu.vector_load %arg8[%swap3A_169, %swap3A_170] {strides = array<i32>} : memref<16x1024xf32, #tpu.memory_space<vmem>>, vector<16xf32>,
        tpu.vector_store %arg8[%swap3A_169, %swap3A_170], %gather3A_167 {strides = array<i32>} : memref<16x1024xf32, #tpu.memory_space<vmem>>, vector<16xf32>,
      }
      %scan3A_29 = arith.constant 32 : i32
    }
    %scan3A_11 = arith.constant 2 : i32
    "tpu.region"() ({
      %run_scoped3A = tpu.sem_alloc : memref<!tpu.dma_semaphore, #tpu.memory_space<semaphore_mem>>
      %dma_start3A = arith.constant 0 : i32
      %dma_start3A_12 = tpu.memref_slice %arg4[%dma_start3A, %mul3A_2] : memref<16x32768xf32, #tpu.memory_space<hbm>> -> memref<16x1024xf32, #tpu.memory_space<hbm>>
      %dma_start3A_13 = arith.constant 0 : i32
      %dma_start3A_14 = tpu.memref_slice %arg4[%dma_start3A_13, %mul3A_2] : memref<16x32768xf32, #tpu.memory_space<hbm>> -> memref<16x1024xf32, #tpu.memory_space<hbm>>
      tpu.enqueue_dma source(%arg8 : memref<16x1024xf32, #tpu.memory_space<vmem>>) target(%dma_start3A_14 : memref<16x1024xf32, #tpu.memory_space<hbm>>) target_semaphore(%run_scoped3A : memref<!tpu.dma_semaphore, #tpu.memory_space<semaphore_mem>>)
      %dma_wait3A = arith.constant 0 : i32
      %dma_wait3A_15 = tpu.memref_slice %arg4[%dma_wait3A, %mul3A_2] : memref<16x32768xf32, #tpu.memory_space<hbm>> -> memref<16x1024xf32, #tpu.memory_space<hbm>>
      %dma_wait3A_16 = arith.constant 0 : i32
      %dma_wait3A_17 = tpu.memref_slice %arg4[%dma_wait3A_16, %mul3A_2] : memref<16x32768xf32, #tpu.memory_space<hbm>> -> memref<16x1024xf32, #tpu.memory_space<hbm>>
      tpu.wait_dma2 semaphore(%run_scoped3A : memref<!tpu.dma_semaphore, #tpu.memory_space<semaphore_mem>>) src(%arg8 : memref<16x1024xf32, #tpu.memory_space<vmem>>) dst(%dma_wait3A_17 : memref<16x1024xf32, #tpu.memory_space<hbm>>)
      tpu.yield
    }) : () -> ()
    return
  }
}

module attributes {stable_mosaic.version = 14 : i64} {
  func.func @_hdist_body(%arg0: i32, %arg1: memref<16x2048xf32, #tpu.memory_space<vmem>>, %arg2: memref<16x2048xf32, #tpu.memory_space<vmem>>, %arg3: memref<1xf32, #tpu.memory_space<smem>>, %arg4: memref<2048xf32, #tpu.memory_space<vmem>>) attributes {dimension_semantics = [#tpu.dimension_semantics<arbitrary>], iteration_bounds = array<i64: 8>, scalar_prefetch = 0 : i64, scratch_operands = 0 : i64, tpu.core_type = #tpu.core_type<tc>, window_params = [{transform_indices = @transform_0, window_bounds = array<i64: 16, 2048>}, {transform_indices = @transform_1, window_bounds = array<i64: 16, 2048>}, {transform_indices = @transform_2, window_bounds = array<i64: 1>}, {transform_indices = @transform_3, window_bounds = array<i64: 2048>}]} {
    %get3A = arith.constant 0 : index
    %get3A_0 = arith.constant 0 : index
    %get3A_1 = vector.load %arg1[%get3A, %get3A_0] : memref<16x2048xf32, #tpu.memory_space<vmem>>, vector<16x2048xf32>
    %get3A_2 = arith.constant 0 : index
    %get3A_3 = arith.constant 0 : index
    %get3A_4 = vector.load %arg2[%get3A_2, %get3A_3] : memref<16x2048xf32, #tpu.memory_space<vmem>>, vector<16x2048xf32>
    %mul3A = arith.mulf %get3A_1, %get3A_1 : vector<16x2048xf32>
    %reduce_sum3A = arith.constant dense<0.000000e+00> : vector<2048xf32>
    %reduce_sum3A_5 = vector.multi_reduction <add>, %mul3A, %reduce_sum3A [0] : vector<16x2048xf32> to vector<2048xf32>
    %mul3A_6 = arith.mulf %get3A_4, %get3A_4 : vector<16x2048xf32>
    %reduce_sum3A_7 = arith.constant dense<0.000000e+00> : vector<2048xf32>
    %reduce_sum3A_8 = vector.multi_reduction <add>, %mul3A_6, %reduce_sum3A_7 [0] : vector<16x2048xf32> to vector<2048xf32>
    %sub3A = arith.subf %get3A_1, %get3A_4 : vector<16x2048xf32>
    %mul3A_9 = arith.mulf %sub3A, %sub3A : vector<16x2048xf32>
    %reduce_sum3A_10 = arith.constant dense<0.000000e+00> : vector<2048xf32>
    %reduce_sum3A_11 = vector.multi_reduction <add>, %mul3A_9, %reduce_sum3A_10 [0] : vector<16x2048xf32> to vector<2048xf32>
    %mul3A_12 = arith.constant 2.000000e+00 : f32
    %mul3A_13 = vector.broadcast %mul3A_12 : f32 to vector<2048xf32>
    %mul3A_14 = arith.mulf %mul3A_13, %reduce_sum3A_11 : vector<2048xf32>
    %sub3A_15 = arith.constant 1.000000e+00 : f32
    %sub3A_16 = vector.broadcast %sub3A_15 : f32 to vector<2048xf32>
    %sub3A_17 = arith.subf %sub3A_16, %reduce_sum3A_5 : vector<2048xf32>
    %sub3A_18 = arith.constant 1.000000e+00 : f32
    %sub3A_19 = vector.broadcast %sub3A_18 : f32 to vector<2048xf32>
    %sub3A_20 = arith.subf %sub3A_19, %reduce_sum3A_8 : vector<2048xf32>
    %mul3A_21 = arith.mulf %sub3A_17, %sub3A_20 : vector<2048xf32>
    %div3A = arith.divf %mul3A_14, %mul3A_21 : vector<2048xf32>
    %add3A = arith.constant 1.000000e+00 : f32
    %add3A_22 = vector.broadcast %add3A : f32 to vector<2048xf32>
    %add3A_23 = arith.addf %add3A_22, %div3A : vector<2048xf32>
    %mul3A_24 = arith.mulf %add3A_23, %add3A_23 : vector<2048xf32>
    %sub3A_25 = arith.constant 1.000000e+00 : f32
    %sub3A_26 = vector.broadcast %sub3A_25 : f32 to vector<2048xf32>
    %sub3A_27 = arith.subf %mul3A_24, %sub3A_26 : vector<2048xf32>
    %sqrt3A = math.sqrt %sub3A_27 : vector<2048xf32>
    %add3A_28 = arith.addf %add3A_23, %sqrt3A : vector<2048xf32>
    %log3A = math.log %add3A_28 : vector<2048xf32>
    %get3A_29 = arith.constant 0 : index
    %get3A_30 = memref.load %arg3[%get3A_29] : memref<1xf32, #tpu.memory_space<smem>>
    %add3A_31 = arith.constant 1.000000e+00 : f32
    %add3A_32 = arith.addf %add3A_31, %get3A_30 : f32
    %div3A_33 = vector.broadcast %add3A_32 : f32 to vector<2048xf32>
    %div3A_34 = arith.divf %log3A, %div3A_33 : vector<2048xf32>
    %swap3A = arith.constant 0 : index
    %swap3A_35 = vector.load %arg4[%swap3A] : memref<2048xf32, #tpu.memory_space<vmem>>, vector<2048xf32>
    tpu.vector_store %arg4[%swap3A], %div3A_34 {strides = array<i32>} : memref<2048xf32, #tpu.memory_space<vmem>>, vector<2048xf32>,
    return
  }
  func.func @transform_0(%arg0: i32) -> (i32, i32) {
    %c0_i32 = arith.constant 0 : i32
    %c0_i32_0 = arith.constant 0 : i32
    return %c0_i32, %arg0 : i32, i32
  }
  func.func @transform_1(%arg0: i32) -> (i32, i32) {
    %add3A = arith.constant 8 : i32
    %add3A_0 = arith.addi %arg0, %add3A : i32
    %c0_i32 = arith.constant 0 : i32
    %c0_i32_1 = arith.constant 0 : i32
    return %c0_i32, %add3A_0 : i32, i32
  }
  func.func @transform_2(%arg0: i32) -> i32 {
    %c0_i32 = arith.constant 0 : i32
    %c0_i32_0 = arith.constant 0 : i32
    return %c0_i32 : i32
  }
  func.func @transform_3(%arg0: i32) -> i32 {
    %c0_i32 = arith.constant 0 : i32
    return %arg0 : i32
  }
}

</mosaic_0001>

<sc_bundles>
// kernel: kernel.4.cloned.1.call-start
scs
__scs_entry_jumppad:
0x0: {  	(pc) =	sbr.rel $0x88, $3  }
0x1: {  	(tag) =	ssettag $0x0;
	lr =	simm.s32 $0x1  }
0x2: {  	[smem:$0x3F9E] =	sst lr;
	_ =	strace $0xD0000000  }
0x3: {  	_ = 	snop  }
0x4: {  	_ = 	snop  }
0x5: {  	_ = 	snop  }
0x6: {  	_ = 	snop  }
0x7: {  	_ = 	snop  }
__scs_overlays_trampoline_lowered:
0x8: {  	[smem:$0x3FAD] =	sst s0  }
0x9: {  	[smem:$0x3FAE] =	sst s1  }
0xa: {  	[smem:$0x3FAF] =	sst s2  }
0xb: {  	[smem:$0x3FB0] =	sst s3  }
0xc: {  	[smem:$0x3FB1] =	sst s4  }
0xd: {  	[smem:$0x3FB2] =	sst s5  }
0xe: {  	[smem:$0x3FB3] =	sst s6  }
0xf: {  	[smem:$0x3FB4] =	sst s7  }
0x10: {  	[smem:$0x3FB5] =	sst s8  }
0x11: {  	[smem:$0x3FB6] =	sst s9;
	s0 =	simm.s32 @!p0 $0x0  }
0x12: {  	s1 =	sld [smem:$0x3F9C];
	s0 =	simm.s32 @p0 $0x1  }
0x13: {  	[smem:$0x3FB7] =	sst s0;
	s0 =	simm.s32 @!p1 $0x0  }
0x14: {  	s2 =	sld [smem:$0x3F9B];
	s0 =	simm.s32 @p1 $0x1  }
0x15: {  	[smem:$0x3FB8] =	sst s0;
	s0 =	simm.s32 @!p2 $0x0  }
0x16: {  	s3 =	sld [smem:$0x3FDB];
	s0 =	simm.s32 @p2 $0x1  }
0x17: {  	s4 =	simm.s32 $0x1BF5;
	[smem:$0x3FBA] =	sst s0  }
0x18: {  	s0 =	sld [smem:$0x3F9D];
	_ =	swait.ge [sflag:s4], $0x0  }
0x19: {  	s7 =	sld [smem:$0x3F9E]  }
0x1a: {  	s8 =	sadd.s32 $0xFFFFE003, lr  }
0x1b: {  	s9 =	sadd.s32 $0xFFFFFEF7, lr;
	s5 =	simm.s32 $0xFFFFFFFF;
	p2 =	slt.u32 s8, $0xFFFFF086  }
0x1c: {  	p1 =	slt.u32 s9, $0xF7A;
	s5 =	simm.s32 @!p2 $0x0  }
0x1d: {  	s5 =	simm.s32 @p1 $0x1;
	p0 =	seq.s32 s7, s2  }
0x1e: {  	s7 =	smul.u32 @!p0 $0xF7A, s2;
	p2 =	seq.s32 @!p0 s5, $0x0  }
0x1f: {  	s9 =	smul.u32 $0xF7A, s1;
	s8 =	simm.s32 @!p0 $0x1BF5;
	p2 =	por !p2, p0  }
0x20: {  	[sflag:s8] =	ssyncset.s32 @!p0 $0xFFFFF086;
	s6 =	sadd.s32 @!p0 s3, s7;
	s7 =	simm.s32 @!p0 $0x108  }
0x21: {  	s3 =	sadd.s32 s3, s9;
	s6 =	sadd.s32 @!p0 $0x88, s6;
	s7 =	simm.s32 @p2 $0x1082  }
0x22: {  	[simem:s7], [sflag:s8] =	dma.local @!p0 [hbm:s6], $0xF7A  }
0x23: {  	s9 =	sor.u32 $0xD0000000, s2;
	s6 =	simm.s32 $0x108;
	_ =	swait.ge @!p0 [sflag:s8], $0x0  }
0x24: {  	s3 =	sadd.s32 $0x88, s3;
	s6 =	simm.s32 @!p1 $0x1082;
	[sflag:s4] =	ssyncset.s32 $0xFFFFF086  }
0x25: {  	[simem:s6], [sflag:s4] =	dma.local [hbm:s3], $0xF7A  }
0x26: {  	[smem:$0x3F9E] =	sst s1;
	(tag) =	ssettag s2;
	_ =	strace s9  }
0x27: {  	s1 =	sld [smem:$0x3FAE]  }
0x28: {  	s2 =	sld [smem:$0x3FAF]  }
0x29: {  	s4 =	sld [smem:$0x3FB1]  }
0x2a: {  	p0 =	seq.s32 s5, $0x0;
	s5 =	sld [smem:$0x3FB2]  }
0x2b: {  	s6 =	sld [smem:$0x3FB3]  }
0x2c: {  	s7 =	sld [smem:$0x3FB4]  }
0x2d: {  	s3 =	simm.s32 $0x108;
	s8 =	sld [smem:$0x3FB5]  }
0x2e: {  	s3 =	simm.s32 @!p0 $0x1082;
	s9 =	sld [smem:$0x3FB6]  }
0x2f: {  	lr =	sadd.s32 s0, s3;
	s0 =	sld [smem:$0x3FAD]  }
0x30: {  	s3 =	sld [smem:$0x3FB0]  }
0x31: {  	[smem:$0x3FB9] =	sst s10  }
0x32: {  	s10 =	sld [smem:$0x3FB7];
	_ =	sdelay $0x3  }
0x33: {  	p0 =	seq.s32 s10, $0x1;
	s10 =	sld [smem:$0x3FB9];
	_ =	sdelay $0x3  }
0x34: {  	[smem:$0x3FB9] =	sst s10  }
0x35: {  	s10 =	sld [smem:$0x3FB8];
	_ =	sdelay $0x3  }
0x36: {  	p1 =	seq.s32 s10, $0x1;
	s10 =	sld [smem:$0x3FB9];
	_ =	sdelay $0x3  }
0x37: {  	[smem:$0x3FB9] =	sst s10  }
0x38: {  	s10 =	sld [smem:$0x3FBA]  }
0x39: {  	_ = 	snop;
	(pc) =	sbr.ind lr, $3  }
0x3a: {  	_ = 	snop  }
0x3b: {  	_ = 	snop  }
0x3c: {  	p2 =	seq.s32 s10, $0x1;
	s10 =	sld [smem:$0x3FB9]  }
0x3d: {  	_ =	shalt  }
0x3e: {  	_ =	shalt  }
0x3f: {  	_ =	shalt  }
0x40: {  	_ =	shalt  }
0x41: {  	_ =	shalt  }
0x42: {  	_ =	shalt  }
0x43: {  	_ =	shalt  }
0x44: {  	_ =	shalt  }
0x45: {  	_ =	shalt  }
0x46: {  	_ =	shalt  }
0x47: {  	_ =	shalt  }
0x48: {  	_ =	shalt  }
0x49: {  	_ =	shalt  }
0x4a: {  	_ =	shalt  }
0x4b: {  	_ =	shalt  }
0x4c: {  	_ =	shalt  }
0x4d: {  	_ =	shalt  }
0x4e: {  	_ =	shalt  }
0x4f: {  	_ =	shalt  }
0x50: {  	_ =	shalt  }
0x51: {  	_ =	shalt  }
0x52: {  	_ =	shalt  }
0x53: {  	_ =	shalt  }
0x54: {  	_ =	shalt  }
0x55: {  	_ =	shalt  }
0x56: {  	_ =	shalt  }
0x57: {  	_ =	shalt  }
0x58: {  	_ =	shalt  }
0x59: {  	_ =	shalt  }
0x5a: {  	_ =	shalt  }
0x5b: {  	_ =	shalt  }
0x5c: {  	_ =	shalt  }
0x5d: {  	_ =	shalt  }
0x5e: {  	_ =	shalt  }
0x5f: {  	_ =	shalt  }
0x60: {  	_ =	shalt  }
0x61: {  	_ =	shalt  }
0x62: {  	_ =	shalt  }
0x63: {  	_ =	shalt  }
0x64: {  	_ =	shalt  }
0x65: {  	_ =	shalt  }
0x66: {  	_ =	shalt  }
0x67: {  	_ =	shalt  }
0x68: {  	_ =	shalt  }
0x69: {  	_ =	shalt  }
0x6a: {  	_ =	shalt  }
0x6b: {  	_ =	shalt  }
0x6c: {  	_ =	shalt  }
0x6d: {  	_ =	shalt  }
0x6e: {  	_ =	shalt  }
0x6f: {  	_ =	shalt  }
0x70: {  	_ =	shalt  }
0x71: {  	_ =	shalt  }
0x72: {  	_ =	shalt  }
0x73: {  	_ =	shalt  }
0x74: {  	_ =	shalt  }
0x75: {  	_ =	shalt  }
0x76: {  	_ =	shalt  }
0x77: {  	_ =	shalt  }
0x78: {  	_ =	shalt  }
0x79: {  	_ =	shalt  }
0x7a: {  	_ =	shalt  }
0x7b: {  	_ =	shalt  }
0x7c: {  	_ =	shalt  }
0x7d: {  	_ =	shalt  }
0x7e: {  	_ =	shalt  }
0x7f: {  	_ =	shalt  }
0x80: {  	_ =	shalt  }
0x81: {  	_ =	shalt  }
0x82: {  	_ =	shalt  }
0x83: {  	_ =	shalt  }
0x84: {  	_ =	shalt  }
0x85: {  	_ =	shalt  }
0x86: {  	_ =	shalt  }
0x87: {  	_ =	shalt  }
.Lfunc_end0:
.L_simem_size_0:
called_computation_lowered:
.L_overlay_start_0:
0x88: {  	s2 =	sld [smem:$0x3FD9]  }
0x89: {  	s3 =	sld [smem:$0x3FFE];
	_ =	sdelay $0x1  }
0x8a: {  	s1 =	srdreg.scid  }
0x8b: {  	s0 =	sand.u32 $0x1, s1  }
0x8c: {  	s16 =	sshll.u32 s0, $0xA;
	s2 =	sadd.s32 s3, s2  }
0x8d: {  	s2 =	sadd.s32 s2, s16  }
0x8e: {  	[smem:$0x3FC5] =	sst s2  }
0x8f: {  	_ = 	snop  }
0x90: {  	(tm) =	ssettm $0x1  }
0x91: {  	s17 =	sld [smem:$0x3FFB];
	_ =	sdelay $0x3  }
0x92: {  	_ =	strace s17  }
0x93: {  	s2 =	sld [smem:$0x3FFC];
	_ =	sdelay $0x3  }
0x94: {  	_ =	strace s2  }
0x95: {  	s2 =	sld [smem:$0x3FFD];
	_ =	sdelay $0x3  }
0x96: {  	_ =	strace s2  }
0x97: {  	_ =	strace $0x8FFFFFFF  }
0x98: {  	s18 =	sld [smem:$0x3FDB];
	_ =	sdelay $0x1  }
0x99: {  	s19 =	simm.s32 $_scs_section_size  }
0x9a: {  	s4 =	simm.s32 $_size__tile_overlayer_lowered;
	s5 =	simm.s32 $_tile_overlayer_lowered  }
0x9b: {  	s22 =	simm.s32 $0x1BFF;
	s21 =	sshll.u32 s5, $0x1;
	s2 =	sadd.s32 s19, s18  }
0x9c: {  	s6 =	simm.s32 $0x0;
	s20 =	sshll.u32 s4, $0x1;
	s4 =	sadd.s32 s21, s2  }
0x9d: {  	[timem:s6], [sflag:s22] =	dma.local [hbm:s4], s20  }
0x9e: {  	_ =	swait.ge [sflag:s22], s20  }
0x9f: {  	s3 =	ssub.s32 $0x0, s20;
	[sflag:s22] =	ssyncset.done $0x0  }
0xa0: {  	[sflag:s22] =	ssyncadd.s32 s3;
	_ =	sdelay $0x1  }
0xa1: {  	s23 =	simm.s32 $0x1B8B  }
0xa2: {  	_ =	swait.ge [sflag:s23], $0x1  }
0xa3: {  	[sflag:s23] =	ssyncset.done $0x0  }
0xa4: {  	s25 =	simm.s32 $0x1B8E;
	s24 =	sld [smem:$0x3FFE];
	[sflag:s23] =	ssyncadd.s32 $0xFFFFFFFF  }
0xa5: {  	s26 =	simm.s32 $execute0_lowered;
	[smem:$0x3FD2] =	sst s25  }
0xa6: {  	s4 =	sshll.u32 s26, $0x1;
	_ =	strace $0x80000046;
	[dreg:$0x1] =	wrdreg $0xFFFFFFFF  }
0xa7: {  	s28 =	simm.s32 $_size_execute0_lowered;
	s2 =	sadd.s32 s2, s4;
	[dreg:$0x0] =	wrdreg $0x0  }
0xa8: {  	s4 =	sshll.u32 s28, $0x1;
	[dreg:$0x2] =	wrdreg s2  }
0xa9: {  	[dreg:$0x3] =	wrdreg s4  }
0xaa: {  	[dreg:$0x4] =	wrdreg $0xC0  }
0xab: {  	_ =	task [dreg:s6], $0x5FFFF  }
0xac: {  	[dreg:$0x1] =	wrdreg $0xFFFFFFFF  }
0xad: {  	[dreg:$0x0] =	wrdreg $0x60  }
0xae: {  	[dreg:$0x2] =	wrdreg s24  }
0xaf: {  	[dreg:$0x3] =	wrdreg $0x9  }
0xb0: {  	_ =	task.clear_ibuf [dreg:s6], $0x4FFFF;
	_ =	strace $0x90000046  }
0xb1: {  	s29 =	simm.s32 $0x9;
	_ =	strace $0x80000048  }
0xb2: {  	_ =	swait.ge [sflag:s29], $0x1  }
0xb3: {  	[sflag:s29] =	ssyncadd.s32 $0xFFFFFFFF  }
0xb4: {  	_ =	strace $0x90000048  }
0xb5: {  	_ =	sfence  }
0xb6: {  	s30 =	sld [smem:$0x0];
	_ =	sdelay $0x2  }
0xb7: {  	s31 =	sshll.u32 s1, $0xD;
	s1 =	sshrl.u32 s1, $0x2  }
0xb8: {  	s3 =	sand.u32 $0x4000, s31;
	s1 =	sadd.s32 s1, s30  }
0xb9: {  	s0 =	sor.u32 s3, s0;
	s1 =	sshll.u32 s1, $0x11  }
0xba: {  	s0 =	sor.u32 s1, s0  }
0xbb: {  	s0 =	sadd.s32 $0x8F2B, s0  }
0xbc: {  	[sflag:s0] =	ssyncadd.remote.s32 $0x1  }
0xbd: {  	_ =	sfence.sel $0xFFFF  }
0xbe: {  	[dreg:$0x0] =	wrdreg $0xFFFFFFFF;
	(pc) =	sbr.abs _section_cstart, $3  }
0xbf: {  	[dreg:$0x1] =	wrdreg $0xFFFFFFFF  }
0xc0: {  	_ =	task.clear_ibuf [dreg:s6], $0x2FFFF;
	_ =	strace $0x9FFFFFFF  }
0xc1: {  	(tm) =	ssettm $0x7FFFFFFF  }
tec
execute0_lowered:
.L_overlay_start_1:
0x0: {  	(tag) =	ssettag $0x1  }
0x1: {  	s4 =	rddreg [dreg:$0x0]  }
0x2: {  	s0 =	rddreg [dreg:$0x1]  }
0x3: {  	s3 =	srdreg.scid;
	s2 =	simm.s32 $0x0;
	s1 =	stileid.u32  }
0x4: {  	s9 =	simm.s32 $0x800;
	s10 =	simm.s32 $0x1;
	s11 =	simm.s32 $0x2000  }
0x5: {  	s12 =	simm.s32 $0x40000;
	s13 =	simm.s32 $0x10800;
	s14 =	simm.s32 $0x0  }
0x6: {  	s5 =	sand.u32 $0x1, s3;
	[smem:$0x7FF] =	sst s2;
	s30 =	sshll.u32 s1, $0xB  }
0x7: {  	s3 =	sadd.s32 $0xF42E00, s4;
	s6 =	sshll.u32 s5, $0xA;
	s5 =	ssub.s32 $0x2, s5  }
0x8: {  	_ =	strace $0x80000047;
	s6 =	sor.u32 s6, s30;
	s31 =	sshrl.u32 s5, $0x1  }
0x9: {  	s7 =	sshrl.u32 s6, $0x3;
	s6 =	sadd.s32 s6, s4;
	s8 =	ssub.s32 s5, s31  }
0xa: {  	v0 =	vlaneseq.u32;
	s7 =	sadd.s32 s7, s4;
	s5 =	sadd.s32 $0x1A00, s6;
	s6 =	smax.u32 s8, $0x1  }
0xb: {  	v0 =	vmul.u32 $0x80, v0;
	s8 =	simm.s32 $0x200;
	s4 =	sadd.s32 $0xA00, s7;
	s7 =	simm.s32 $0x2  }
.LBB2_1:
0xc: {  	[tilespmem:s2], [sflag:$0x2] =	stream.linear.gather [hbm4b:s4+s2], $0x400, $0x38;
	[tilespmem:$0x14800] =	vst v63  }
0xd: {  	_ =	swait.ge [sflag:s7], $0x400  }
0xe: {  	[sflag:s7] =	ssyncset.done $0x0  }
0xf: {  	s15 =	simm.s32 $0x0;
	[sflag:s7] =	ssyncadd.s32 $0xFFFFFC00  }
0x10: {  	s16 =	simm.s32 $0x40;
	v1 =	vld [tilespmem:s15+$0x0]  }
.LBB2_2:
0x11: {  	p0 =	sne.s32 s16, $0xFC0  }
.Ltmp0:
0x12: {  	_ = 	snop;
	(pc) =	sbr.rel @p0 .LBB2_2-.Ltmp0, $3  }
0x13: {  	_ =	sdelay $0x1  }
0x14: {  	s17 =	sshra.s32 s16, $0x2;
	s16 =	sadd.s32 $0x40, s16;
	v2 =	vshrl.u32 v1, $0x3  }
0x15: {  	v1 =	vld [tilespmem:s17+$0x0];
	[tilespmem:s15+$0x400] =	vst v2;
	s15 =	smov.u32 s17  }
0x16: {  	_ =	sdelay $0x3  }
0x17: {  	v1 =	vshrl.u32 v1, $0x3  }
0x18: {  	p1 =	por $0x1, $0x1;
	s16 =	simm.s32 $0x0;
	[tilespmem:s15+$0x400] =	vst v1;
	s15 =	simm.s32 $0x0  }
.LBB2_4:
0x19: {  	s17 =	sadd.s32 $0x400, s16  }
0x1a: {  	[tilespmem:s9], [sflag:$0x1] =	stream.indirect.gather [hbm4b:s3+s8], $0x80, s17, s8, $0xb8;
	[tilespmem:$0x14800] =	vst v63  }
0x1b: {  	s30 =	sadd.s32 $0x0, s16;
	_ =	swait.ge [sflag:s10], $0x10000  }
0x1c: {  	s18 =	sand.u32 $0x70, s15;
	s17 =	sand.u32 $0x380, s30;
	[sflag:s10] =	ssyncset.done $0x0  }
0x1d: {  	s17 =	sor.u32 s18, s17;
	[sflag:s10] =	ssyncadd.s32 $0xFFFF0000  }
0x1e: {  	v1 =	vld [tilespmem:s17+$0x0];
	_ =	sdelay $0x3  }
0x1f: {  	v2 =	vmov s15  }
0x20: {  	v2 =	vshll.u32 v2, $0x7;
	v1 =	vshll.u32 v1, $0x4  }
0x21: {  	v2 =	vor.u32 v0, v2;
	v1 =	vand.u32 $0x70, v1  }
0x22: {  	v1 =	vor.u32 v2, v1;
	_ =	sdelay $0x4  }
0x23: {  	v2 =	vld.idx.msk [tilespmem:v1+s9+$0x0], $0xffff  }
0x24: {  	v3 =	vor.u32 $0x1, v1  }
0x25: {  	s17 =	sshll.u32 s16, $0x3  }
0x26: {  	s19 =	sand.u32 $0x1C00, s17  }
0x27: {  	s19 =	sor.u32 s18, s19  }
0x28: {  	[tilespmem:s19+$0x10800] =	vst v2  }
0x29: {  	v2 =	vld.idx.msk [tilespmem:v3+s9+$0x0], $0xffff  }
0x2a: {  	v3 =	vor.u32 $0x2, v1;
	_ =	sdelay $0x2  }
0x2b: {  	s18 =	sadd.s32 $0x10800, s19  }
0x2c: {  	[tilespmem:s18+$0x80] =	vst v2  }
0x2d: {  	v2 =	vld.idx.msk [tilespmem:v3+s9+$0x0], $0xffff  }
0x2e: {  	v3 =	vor.u32 $0x3, v1;
	_ =	sdelay $0x3  }
0x2f: {  	[tilespmem:s18+$0x100] =	vst v2  }
0x30: {  	v2 =	vld.idx.msk [tilespmem:v3+s9+$0x0], $0xffff  }
0x31: {  	v3 =	vor.u32 $0x4, v1;
	_ =	sdelay $0x3  }
0x32: {  	[tilespmem:s18+$0x180] =	vst v2  }
0x33: {  	v2 =	vld.idx.msk [tilespmem:v3+s9+$0x0], $0xffff  }
0x34: {  	v3 =	vor.u32 $0x5, v1;
	_ =	sdelay $0x3  }
0x35: {  	[tilespmem:s18+$0x200] =	vst v2  }
0x36: {  	v2 =	vld.idx.msk [tilespmem:v3+s9+$0x0], $0xffff  }
0x37: {  	v3 =	vor.u32 $0x6, v1;
	_ =	sdelay $0x3  }
0x38: {  	[tilespmem:s18+$0x280] =	vst v2  }
0x39: {  	v2 =	vld.idx.msk [tilespmem:v3+s9+$0x0], $0xffff  }
0x3a: {  	v3 =	vor.u32 $0x7, v1;
	_ =	sdelay $0x3  }
0x3b: {  	[tilespmem:s18+$0x300] =	vst v2  }
0x3c: {  	v2 =	vld.idx.msk [tilespmem:v3+s9+$0x0], $0xffff  }
0x3d: {  	v3 =	vor.u32 $0x8, v1;
	_ =	sdelay $0x1  }
0x3e: {  	s31 =	sor.u32 s17, s15  }
0x3f: {  	s18 =	sor.u32 $0x380, s31  }
0x40: {  	[tilespmem:s18+$0x10800] =	vst v2  }
0x41: {  	v2 =	vld.idx.msk [tilespmem:v3+s9+$0x0], $0xffff  }
0x42: {  	v3 =	vor.u32 $0x9, v1;
	_ =	sdelay $0x3  }
0x43: {  	[tilespmem:s19+$0x12800] =	vst v2  }
0x44: {  	v2 =	vld.idx.msk [tilespmem:v3+s9+$0x0], $0xffff  }
0x45: {  	v3 =	vor.u32 $0xA, v1;
	_ =	sdelay $0x3  }
0x46: {  	[tilespmem:s19+$0x12880] =	vst v2  }
0x47: {  	v2 =	vld.idx.msk [tilespmem:v3+s9+$0x0], $0xffff  }
0x48: {  	v3 =	vor.u32 $0xB, v1;
	_ =	sdelay $0x3  }
0x49: {  	[tilespmem:s19+$0x12900] =	vst v2  }
0x4a: {  	v2 =	vld.idx.msk [tilespmem:v3+s9+$0x0], $0xffff  }
0x4b: {  	v3 =	vor.u32 $0xC, v1;
	_ =	sdelay $0x3  }
0x4c: {  	[tilespmem:s19+$0x12980] =	vst v2  }
0x4d: {  	v2 =	vld.idx.msk [tilespmem:v3+s9+$0x0], $0xffff  }
0x4e: {  	v3 =	vor.u32 $0xD, v1;
	_ =	sdelay $0x3  }
0x4f: {  	[tilespmem:s19+$0x12A00] =	vst v2  }
0x50: {  	v2 =	vld.idx.msk [tilespmem:v3+s9+$0x0], $0xffff  }
0x51: {  	v3 =	vor.u32 $0xE, v1;
	_ =	sdelay $0x3  }
0x52: {  	[tilespmem:s19+$0x12A80] =	vst v2  }
0x53: {  	v2 =	vld.idx.msk [tilespmem:v3+s9+$0x0], $0xffff  }
0x54: {  	v1 =	vor.u32 $0xF, v1;
	_ =	sdelay $0x3  }
0x55: {  	[tilespmem:s19+$0x12B00] =	vst v2  }
0x56: {  	v1 =	vld.idx.msk [tilespmem:v1+s9+$0x0], $0xffff;
	_ =	sdelay $0x1  }
0x57: {  	s20 =	sadd.s32 $0x10, s16;
	p0 =	por p1, p1;
	s18 =	simm.s32 $0x10  }
0x58: {  	s23 =	simm.s32 $0x20;
	s21 =	sand.u32 $0x380, s20;
	s22 =	sand.u32 $0x70, s18  }
.LBB2_5:
0x59: {  	s24 =	sor.u32 s22, s21  }
0x5a: {  	[tilespmem:s19+$0x12B80] =	vst v1;
	s17 =	sadd.s32 $0x80, s17;
	s21 =	smov.u32 s23;
	s20 =	sadd.s32 $0x10, s23  }
0x5b: {  	p1 =	sne.s32 s23, $0x1F0;
	v1 =	vld [tilespmem:s24+$0x0];
	_ =	sdelay $0x3  }
0x5c: {  	v2 =	vmov s18  }
0x5d: {  	v2 =	vshll.u32 v2, $0x7;
	v1 =	vshll.u32 v1, $0x4  }
0x5e: {  	v2 =	vor.u32 v0, v2;
	v1 =	vand.u32 $0x70, v1  }
0x5f: {  	v1 =	vor.u32 v2, v1;
	_ =	sdelay $0x4  }
0x60: {  	v2 =	vld.idx.msk [tilespmem:v1+s9+$0x0], $0xffff;
	_ =	sdelay $0x1  }
0x61: {  	v3 =	vor.u32 $0x1, v1;
	_ =	sdelay $0x1  }
0x62: {  	s19 =	sand.u32 $0x1C00, s17  }
0x63: {  	s19 =	sor.u32 s22, s19  }
0x64: {  	[tilespmem:s19+$0x10800] =	vst v2  }
0x65: {  	v2 =	vld.idx.msk [tilespmem:v3+s9+$0x0], $0xffff;
	_ =	sdelay $0x1  }
0x66: {  	v3 =	vor.u32 $0x2, v1;
	_ =	sdelay $0x2  }
0x67: {  	s22 =	sadd.s32 $0x10800, s19  }
0x68: {  	[tilespmem:s22+$0x80] =	vst v2  }
0x69: {  	v2 =	vld.idx.msk [tilespmem:v3+s9+$0x0], $0xffff;
	_ =	sdelay $0x1  }
0x6a: {  	v3 =	vor.u32 $0x3, v1;
	_ =	sdelay $0x3  }
0x6b: {  	[tilespmem:s22+$0x100] =	vst v2  }
0x6c: {  	v2 =	vld.idx.msk [tilespmem:v3+s9+$0x0], $0xffff;
	_ =	sdelay $0x1  }
0x6d: {  	v3 =	vor.u32 $0x4, v1;
	_ =	sdelay $0x3  }
0x6e: {  	[tilespmem:s22+$0x180] =	vst v2  }
0x6f: {  	v2 =	vld.idx.msk [tilespmem:v3+s9+$0x0], $0xffff;
	_ =	sdelay $0x1  }
0x70: {  	v3 =	vor.u32 $0x5, v1;
	_ =	sdelay $0x3  }
0x71: {  	[tilespmem:s22+$0x200] =	vst v2  }
0x72: {  	v2 =	vld.idx.msk [tilespmem:v3+s9+$0x0], $0xffff;
	_ =	sdelay $0x1  }
0x73: {  	v3 =	vor.u32 $0x6, v1;
	_ =	sdelay $0x3  }
0x74: {  	[tilespmem:s22+$0x280] =	vst v2  }
0x75: {  	v2 =	vld.idx.msk [tilespmem:v3+s9+$0x0], $0xffff;
	_ =	sdelay $0x1  }
0x76: {  	v3 =	vor.u32 $0x7, v1;
	_ =	sdelay $0x3  }
0x77: {  	[tilespmem:s22+$0x300] =	vst v2  }
0x78: {  	v2 =	vld.idx.msk [tilespmem:v3+s9+$0x0], $0xffff;
	_ =	sdelay $0x1  }
0x79: {  	v3 =	vor.u32 $0x8, v1;
	_ =	sdelay $0x1  }
0x7a: {  	s22 =	sor.u32 s17, s18;
	s18 =	smov.u32 s21  }
0x7b: {  	s21 =	sor.u32 $0x380, s22  }
0x7c: {  	[tilespmem:s21+$0x10800] =	vst v2  }
0x7d: {  	v2 =	vld.idx.msk [tilespmem:v3+s9+$0x0], $0xffff;
	_ =	sdelay $0x1  }
0x7e: {  	v3 =	vor.u32 $0x9, v1;
	_ =	sdelay $0x3  }
0x7f: {  	[tilespmem:s19+$0x12800] =	vst v2  }
0x80: {  	v2 =	vld.idx.msk [tilespmem:v3+s9+$0x0], $0xffff;
	_ =	sdelay $0x1  }
0x81: {  	v3 =	vor.u32 $0xA, v1;
	_ =	sdelay $0x3  }
0x82: {  	[tilespmem:s19+$0x12880] =	vst v2  }
0x83: {  	v2 =	vld.idx.msk [tilespmem:v3+s9+$0x0], $0xffff;
	_ =	sdelay $0x1  }
0x84: {  	v3 =	vor.u32 $0xB, v1;
	_ =	sdelay $0x3  }
0x85: {  	[tilespmem:s19+$0x12900] =	vst v2  }
0x86: {  	v2 =	vld.idx.msk [tilespmem:v3+s9+$0x0], $0xffff;
	_ =	sdelay $0x1  }
0x87: {  	v3 =	vor.u32 $0xC, v1;
	_ =	sdelay $0x3  }
0x88: {  	[tilespmem:s19+$0x12980] =	vst v2  }
0x89: {  	v2 =	vld.idx.msk [tilespmem:v3+s9+$0x0], $0xffff;
	_ =	sdelay $0x1  }
0x8a: {  	v3 =	vor.u32 $0xD, v1;
	_ =	sdelay $0x3  }
0x8b: {  	[tilespmem:s19+$0x12A00] =	vst v2  }
0x8c: {  	v2 =	vld.idx.msk [tilespmem:v3+s9+$0x0], $0xffff;
	_ =	sdelay $0x1  }
0x8d: {  	v3 =	vor.u32 $0xE, v1;
	_ =	sdelay $0x3  }
0x8e: {  	[tilespmem:s19+$0x12A80] =	vst v2  }
0x8f: {  	v2 =	vld.idx.msk [tilespmem:v3+s9+$0x0], $0xffff;
	_ =	sdelay $0x1  }
0x90: {  	v1 =	vor.u32 $0xF, v1;
	_ =	sdelay $0x3  }
0x91: {  	[tilespmem:s19+$0x12B00] =	vst v2  }
0x92: {  	v1 =	vld.idx.msk [tilespmem:v1+s9+$0x0], $0xffff  }
.Ltmp1:
0x93: {  	(pc) =	sbr.rel @p1 .LBB2_5-.Ltmp1, $3  }
0x94: {  	_ =	sdelay $0x1  }
0x95: {  	s21 =	sadd.s32 s18, s16  }
0x96: {  	s23 =	smov.u32 s20;
	s22 =	sand.u32 $0x70, s18;
	s21 =	sand.u32 $0x380, s21  }
0x97: {  	s16 =	sor.u32 s22, s21;
	[tilespmem:s19+$0x12B80] =	vst v1  }
0x98: {  	v1 =	vld [tilespmem:s16+$0x0];
	_ =	sdelay $0x3  }
0x99: {  	v2 =	vmov s18  }
0x9a: {  	v2 =	vshll.u32 v2, $0x7;
	v1 =	vshll.u32 v1, $0x4  }
0x9b: {  	v2 =	vor.u32 v0, v2;
	v1 =	vand.u32 $0x70, v1  }
0x9c: {  	v1 =	vor.u32 v2, v1;
	_ =	sdelay $0x4  }
0x9d: {  	v2 =	vld.idx.msk [tilespmem:v1+s9+$0x0], $0xffff  }
0x9e: {  	v3 =	vor.u32 $0x1, v1  }
0x9f: {  	s30 =	sadd.s32 $0x80, s17  }
0xa0: {  	s17 =	sand.u32 $0x1C00, s30  }
0xa1: {  	s17 =	sor.u32 s22, s17  }
0xa2: {  	[tilespmem:s17+$0x10800] =	vst v2  }
0xa3: {  	v2 =	vld.idx.msk [tilespmem:v3+s9+$0x0], $0xffff  }
0xa4: {  	v3 =	vor.u32 $0x2, v1;
	_ =	sdelay $0x2  }
0xa5: {  	s31 =	sadd.s32 $0x10800, s17  }
0xa6: {  	[tilespmem:s31+$0x80] =	vst v2  }
0xa7: {  	v2 =	vld.idx.msk [tilespmem:v3+s9+$0x0], $0xffff  }
0xa8: {  	v3 =	vor.u32 $0x3, v1;
	_ =	sdelay $0x3  }
0xa9: {  	[tilespmem:s31+$0x100] =	vst v2  }
0xaa: {  	v2 =	vld.idx.msk [tilespmem:v3+s9+$0x0], $0xffff  }
0xab: {  	v3 =	vor.u32 $0x4, v1;
	_ =	sdelay $0x3  }
0xac: {  	[tilespmem:s31+$0x180] =	vst v2  }
0xad: {  	v2 =	vld.idx.msk [tilespmem:v3+s9+$0x0], $0xffff  }
0xae: {  	v3 =	vor.u32 $0x5, v1;
	_ =	sdelay $0x3  }
0xaf: {  	[tilespmem:s31+$0x200] =	vst v2  }
0xb0: {  	v2 =	vld.idx.msk [tilespmem:v3+s9+$0x0], $0xffff  }
0xb1: {  	v3 =	vor.u32 $0x6, v1;
	_ =	sdelay $0x3  }
0xb2: {  	[tilespmem:s31+$0x280] =	vst v2  }
0xb3: {  	v2 =	vld.idx.msk [tilespmem:v3+s9+$0x0], $0xffff  }
0xb4: {  	v3 =	vor.u32 $0x7, v1;
	_ =	sdelay $0x3  }
0xb5: {  	[tilespmem:s31+$0x300] =	vst v2  }
0xb6: {  	v2 =	vld.idx.msk [tilespmem:v3+s9+$0x0], $0xffff  }
0xb7: {  	v3 =	vor.u32 $0x8, v1;
	_ =	sdelay $0x1  }
0xb8: {  	s16 =	sor.u32 s30, s18  }
0xb9: {  	s16 =	sor.u32 $0x380, s16  }
0xba: {  	[tilespmem:s16+$0x10800] =	vst v2  }
0xbb: {  	v2 =	vld.idx.msk [tilespmem:v3+s9+$0x0], $0xffff  }
0xbc: {  	v3 =	vor.u32 $0x9, v1;
	_ =	sdelay $0x3  }
0xbd: {  	[tilespmem:s17+$0x12800] =	vst v2  }
0xbe: {  	v2 =	vld.idx.msk [tilespmem:v3+s9+$0x0], $0xffff  }
0xbf: {  	v3 =	vor.u32 $0xA, v1;
	_ =	sdelay $0x3  }
0xc0: {  	[tilespmem:s17+$0x12880] =	vst v2  }
0xc1: {  	v2 =	vld.idx.msk [tilespmem:v3+s9+$0x0], $0xffff  }
0xc2: {  	v3 =	vor.u32 $0xB, v1;
	_ =	sdelay $0x3  }
0xc3: {  	[tilespmem:s17+$0x12900] =	vst v2  }
0xc4: {  	v2 =	vld.idx.msk [tilespmem:v3+s9+$0x0], $0xffff  }
0xc5: {  	v3 =	vor.u32 $0xC, v1;
	_ =	sdelay $0x3  }
0xc6: {  	[tilespmem:s17+$0x12980] =	vst v2  }
0xc7: {  	v2 =	vld.idx.msk [tilespmem:v3+s9+$0x0], $0xffff  }
0xc8: {  	v3 =	vor.u32 $0xD, v1;
	_ =	sdelay $0x3  }
0xc9: {  	[tilespmem:s17+$0x12A00] =	vst v2  }
0xca: {  	v2 =	vld.idx.msk [tilespmem:v3+s9+$0x0], $0xffff  }
0xcb: {  	v3 =	vor.u32 $0xE, v1;
	_ =	sdelay $0x3  }
0xcc: {  	[tilespmem:s17+$0x12A80] =	vst v2  }
0xcd: {  	v2 =	vld.idx.msk [tilespmem:v3+s9+$0x0], $0xffff  }
0xce: {  	v1 =	vor.u32 $0xF, v1;
	_ =	sdelay $0x3  }
0xcf: {  	[tilespmem:s17+$0x12B00] =	vst v2  }
0xd0: {  	v1 =	vld.idx.msk [tilespmem:v1+s9+$0x0], $0xffff  }
.Ltmp2:
0xd1: {  	_ = 	snop;
	(pc) =	sbr.rel @p0 .LBB2_4-.Ltmp2, $2  }
0xd2: {  	_ =	sdelay $0x2  }
0xd3: {  	p1 =	por $0x0, $0x0;
	s16 =	simm.s32 $0x200;
	[tilespmem:s17+$0x12B80] =	vst v1  }
0xd4: {  	s14 =	sadd.s32 $0x1, s14  }
0xd5: {  	p0 =	sne.s32 s14, s6  }
.Ltmp3:
0xd6: {  	_ = 	snop;
	(pc) =	sbr.rel @p0 .LBB2_1-.Ltmp3, $4  }
0xd7: {  	[hbm4b:s5+s11] =	stream.strided.scatter [tilespmem:s13], [sflag:$0x2], $0x4000, s12, s11, $0x38;
	[tilespmem:$0x14800] =	vst v63  }
0xd8: {  	_ =	swait.ge [sflag:s7], $0x4000  }
0xd9: {  	[sflag:s7] =	ssyncset.done $0x0  }
0xda: {  	[sflag:s7] =	ssyncadd.s32 $0xFFFFC000  }
0xdb: {  	_ =	sfence.sel $0x180000  }
0xdc: {  	[bflag:$0x0] =	sbarrier.arrive $0xFFFF  }
0xdd: {  	p0 =	sne.s32 s1, $0x0;
	_ =	strace $0x90000047  }
0xde: {  	s0 =	sadd.s32 @!p0 $0x100000, s0;
	[bflag:$0x2] =	sbarrier.arrive $0xFFFF  }
0xdf: {  	[sflag:s0] =	ssyncadd.tile.s32 @!p0 $0x1;
	_ =	shalt  }
.Lfunc_end2:
_tile_overlayer_lowered:
.L_overlay_start_2:
0xe0: {  	(tag) =	ssettag $0x2  }
0xe1: {  	s0 =	rddreg [dreg:$0x0];
	s2 =	stileid.u32  }
0xe2: {  	s1 =	rddreg [dreg:$0x1];
	p0 =	sne.s32 s2, $0x0  }
0xe3: {  	s3 =	rddreg [dreg:$0x2];
	[bflag:$0x3] =	sbarrier.arrive $0xFFFF;
	s2 =	simm.s32 @!p0 $0x1C02  }
0xe4: {  	[timem:s3], [sflag:s2] =	dma.local @!p0 [hbm:s0], s1  }
0xe5: {  	s0 =	simm.s32 @!p0 $0x2  }
0xe6: {  	_ =	swait.ge @!p0 [sflag:s0], s1  }
0xe7: {  	s1 =	ssub.s32 @!p0 $0x0, s1;
	[sflag:s0] =	ssyncset.done @!p0 $0x0  }
0xe8: {  	[sflag:s0] =	ssyncadd.s32 @!p0 s1  }
0xe9: {  	[bflag:$0x3] =	sbarrier.arrive $0xFFFF  }
0xea: {  	_ =	shalt  }

</sc_bundles>
